<compile_context>
chip_gen: v7x
topology: tpu7x:2x2x1
jax: 0.10.2.dev20260603
libtpu: 0.0.44.dev20260713+nightly
codegen_flags: <defaults>
</compile_context>

<pallas_src>
import functools

import jax
import jax.numpy as jnp
from jax import lax
from jax.experimental import pallas as pl
from jax.experimental.pallas import tpu as pltpu
from jax.experimental.pallas import tpu_sc as plsc

NUM_PROTOTYPES = 1024
DIM = 32
N_TOKENS = 16384
N_GRAPHS = 1024

TOK_BLOCK = 2048
N_BLOCKS = N_TOKENS // TOK_BLOCK


def _assign_body(e_ref, c_ref, idx_ref):
    e = e_ref[...]
    c = c_ref[...]
    a2 = jnp.sum(e * e, axis=1, keepdims=True)
    b2 = jnp.sum(c * c, axis=1)[None, :]
    prod = lax.dot_general(e, c, (((1,), (1,)), ((), ())),
                           preferred_element_type=jnp.float32)
    d2 = a2 + b2 - 2.0 * prod
    d = jnp.sqrt(jnp.maximum(d2, 1e-12))
    mn = jnp.min(d, axis=1, keepdims=True)
    ii = lax.broadcasted_iota(jnp.int32, d.shape, 1)
    idx = jnp.min(jnp.where(d <= mn, ii, NUM_PROTOTYPES), axis=1)
    idx_ref[0, 0, :] = idx


def _assign(le_embeddings, prototype_vectors):
    return pl.pallas_call(
        _assign_body,
        grid=(N_BLOCKS,),
        in_specs=[
            pl.BlockSpec((TOK_BLOCK, DIM), lambda i: (i, 0)),
            pl.BlockSpec((NUM_PROTOTYPES, DIM), lambda i: (0, 0)),
        ],
        out_specs=pl.BlockSpec((1, 1, TOK_BLOCK), lambda i: (i, 0, 0)),
        out_shape=jax.ShapeDtypeStruct((N_BLOCKS, 1, TOK_BLOCK), jnp.int32),
    )(le_embeddings, prototype_vectors)


L = 16
N_WORKERS = 32
ROWS_PER_TILE = N_GRAPHS // N_WORKERS
OUT_PER_TILE = ROWS_PER_TILE * NUM_PROTOTYPES
N_CHUNKS = N_TOKENS // L
COLS_CHUNKS = NUM_PROTOTYPES // L

@functools.cache
def _make_scatter():
    mesh = plsc.VectorSubcoreMesh(core_axis_name="c", subcore_axis_name="s")
    return functools.partial(
        pl.kernel,
        mesh=mesh,
        compiler_params=pltpu.CompilerParams(needs_layout_passes=False),
        out_type=jax.ShapeDtypeStruct((N_GRAPHS * NUM_PROTOTYPES,), jnp.float32),
        scratch_types=[
            pltpu.VMEM((N_TOKENS,), jnp.int32),
            pltpu.VMEM((N_TOKENS,), jnp.int32),
            pltpu.VMEM((OUT_PER_TILE,), jnp.float32),
            pltpu.VMEM((ROWS_PER_TILE,), jnp.float32),
        ],
    )(_scatter_body)


def _lower_bounds(bel_v, targets):
    def body(k, lo):
        nxt = lo + (jnp.int32(N_TOKENS) >> k)
        idx = jnp.minimum(nxt, N_TOKENS - 1)
        v = plsc.load_gather(bel_v, [idx])
        take = (nxt <= N_TOKENS - 1) & (v < targets)
        return jnp.where(take, nxt, lo)

    lo0 = jnp.full((L,), -1, jnp.int32)
    return lax.fori_loop(0, 15, body, lo0) + 1


def _scatter_body(zero_hbm, bel_hbm, idx_hbm, out_hbm, bel_v, idx_v, rows_v,
                  base_v):
    wid = lax.axis_index("s") * 2 + lax.axis_index("c")
    g0 = wid * ROWS_PER_TILE

    pltpu.sync_copy(zero_hbm, rows_v)
    pltpu.sync_copy(bel_hbm, bel_v)
    pltpu.sync_copy(idx_hbm, idx_v)

    zeros = jnp.zeros((L,), jnp.float32)
    ones = jnp.ones((L,), jnp.float32)
    neg = jnp.full((L,), -jnp.inf, jnp.float32)

    base_v[pl.ds(0, L)] = neg
    base_v[pl.ds(L, L)] = neg

    lanes = lax.iota(jnp.int32, 16)
    bounds = _lower_bounds(bel_v, g0 + lanes * ROWS_PER_TILE)
    start = jnp.max(jnp.where(lanes == 0, bounds, 0))
    end = jnp.max(jnp.where(lanes == 1, bounds, 0))

    def scan_body(c, carry):
        b = bel_v[pl.ds(c * L, L)]
        i = idx_v[pl.ds(c * L, L)]
        r = b - g0
        m = (r >= 0) & (r < ROWS_PER_TILE)
        rc = jnp.clip(r, 0, ROWS_PER_TILE - 1)
        plsc.store_scatter(rows_v, [rc * NUM_PROTOTYPES + i], ones, mask=m)
        plsc.store_scatter(base_v, [rc], zeros, mask=m)
        return carry

    lax.fori_loop(start // L, (end + L - 1) // L, scan_body, 0)

    mn = jnp.minimum(jnp.min(base_v[pl.ds(0, L)]), jnp.min(base_v[pl.ds(L, L)]))

    @pl.when(mn < 0.0)
    def _fix():
        def fix_body(c, carry):
            row = c // COLS_CHUNKS
            bvec = plsc.load_gather(base_v, [jnp.full((L,), row, jnp.int32)])
            chunk = rows_v[pl.ds(c * L, L)]
            rows_v[pl.ds(c * L, L)] = chunk + bvec
            return carry

        lax.fori_loop(0, OUT_PER_TILE // L, fix_body, 0)

    pltpu.sync_copy(rows_v, out_hbm.at[pl.ds(wid * OUT_PER_TILE, OUT_PER_TILE)])


def kernel(le_embeddings, belonging, prototype_vectors):
    idx = _assign(le_embeddings, prototype_vectors).reshape(N_TOKENS)
    bel = belonging.astype(jnp.int32)
    zero = jnp.zeros((OUT_PER_TILE,), jnp.float32)
    out = _make_scatter()(zero, bel, idx)
    return out.reshape(N_GRAPHS, NUM_PROTOTYPES)

# --- scband reference (transcript-rebuilt; emitter-appended) ---
"""Pipeline reference for scband-global-explainer-34668976013407 (READ-ONLY COPY).

The authoritative reference and input builder live on the scoring server;
editing this copy changes nothing except your own understanding.
"""

import jax, jax.numpy as jnp
import numpy as np

NUM_PROTOTYPES = 1024
DIM = 32
N_TOKENS = 16384
N_GRAPHS = 1024
TEMP = 1.0


def setup_inputs(seed: int = 0) -> dict:
    key = jax.random.key(seed)
    k1, k2, k3 = jax.random.split(key, 3)
    le_embeddings = jax.random.normal(k1, (N_TOKENS, DIM), dtype=jnp.float32)
    belonging = jnp.sort(jax.random.randint(k2, (N_TOKENS,), 0, N_GRAPHS, dtype=jnp.int64))
    prototype_vectors = jax.random.uniform(k3, (NUM_PROTOTYPES, DIM), dtype=jnp.float32)
    return {
        "le_embeddings": le_embeddings,
        "belonging": belonging,
        "prototype_vectors": prototype_vectors,
    }


def _cdist(a, b):
    # torch.cdist(a, b, p=2)
    a2 = jnp.sum(a * a, axis=1, keepdims=True)
    b2 = jnp.sum(b * b, axis=1)[None, :]
    d2 = a2 + b2 - 2.0 * (a @ b.T)
    return jnp.sqrt(jnp.maximum(d2, 1e-12))


def prototype_assignement(le_embeddings, prototype_vectors, temp):
    # utils.prototype_assignement with assign_func == 'discrete':
    # straight-through hard one-hot over softmax(-cdist / temp)
    dist = _cdist(le_embeddings, prototype_vectors)
    y_soft = jax.nn.softmax(-dist / temp, axis=-1)
    index = jnp.argmax(y_soft, axis=-1)
    y_hard = jax.nn.one_hot(index, prototype_vectors.shape[0], dtype=y_soft.dtype)
    return y_hard - jax.lax.stop_gradient(y_soft) + y_soft


def reference(le_embeddings, belonging, prototype_vectors):
    # core of GlobalExplainer.get_concept_vector (le_model embeddings are the input):
    # assign each local explanation embedding to a prototype, then
    # scatter-max the assignments per input graph to form the concept vector.
    le_assignments = prototype_assignement(le_embeddings, prototype_vectors, TEMP)
    concept_vector = jax.ops.segment_max(le_assignments, belonging, num_segments=N_GRAPHS)
    return concept_vector

if __name__ == "__main__":
    import jax
    _d = setup_inputs()
    print(jax.jit(kernel)(*tuple(_d.values())))

</pallas_src>

<mosaic_0001>
#map = affine_map<(d0, d1) -> (0)>
module attributes {stable_mosaic.version = 14 : i64} {
  func.func @_scatter_body(%arg0: i32, %arg1: i32, %arg2: memref<32768xf32, #tpu.memory_space<hbm>>, %arg3: memref<16384xi32, #tpu.memory_space<hbm>>, %arg4: memref<16384xi32, #tpu.memory_space<hbm>>, %arg5: memref<1048576xf32, #tpu.memory_space<hbm>>, %arg6: memref<16384xi32, #tpu.memory_space<vmem>>, %arg7: memref<16384xi32, #tpu.memory_space<vmem>>, %arg8: memref<32768xf32, #tpu.memory_space<vmem>>, %arg9: memref<32xf32, #tpu.memory_space<vmem>>) attributes {dimension_semantics = [#tpu.dimension_semantics<core_parallel>, #tpu.dimension_semantics<subcore_parallel>], iteration_bounds = array<i64: 2, 16>, scalar_prefetch = 0 : i64, scratch_operands = 4 : i64, tpu.core_type = #tpu.core_type<sc_vector_subcore>, window_params = [{transform_indices = #map}, {transform_indices = #map}, {transform_indices = #map}, {transform_indices = #map}]} {
    %mul3A = arith.constant 2 : i32
    %mul3A_0 = arith.muli %arg1, %mul3A : i32
    %add3A = arith.addi %mul3A_0, %arg0 : i32
    %mul3A_1 = arith.constant 32 : i32
    %mul3A_2 = arith.muli %add3A, %mul3A_1 : i32
    "tpu.region"() ({
      %run_scoped3A = tpu.sem_alloc : memref<!tpu.dma_semaphore, #tpu.memory_space<semaphore_mem>>
      tpu.enqueue_dma source(%arg2 : memref<32768xf32, #tpu.memory_space<hbm>>) target(%arg8 : memref<32768xf32, #tpu.memory_space<vmem>>) target_semaphore(%run_scoped3A : memref<!tpu.dma_semaphore, #tpu.memory_space<semaphore_mem>>)
      tpu.wait_dma2 semaphore(%run_scoped3A : memref<!tpu.dma_semaphore, #tpu.memory_space<semaphore_mem>>) src(%arg2 : memref<32768xf32, #tpu.memory_space<hbm>>) dst(%arg8 : memref<32768xf32, #tpu.memory_space<vmem>>)
      tpu.yield
    }) : () -> ()
    "tpu.region"() ({
      %run_scoped3A = tpu.sem_alloc : memref<!tpu.dma_semaphore, #tpu.memory_space<semaphore_mem>>
      tpu.enqueue_dma source(%arg3 : memref<16384xi32, #tpu.memory_space<hbm>>) target(%arg6 : memref<16384xi32, #tpu.memory_space<vmem>>) target_semaphore(%run_scoped3A : memref<!tpu.dma_semaphore, #tpu.memory_space<semaphore_mem>>)
      tpu.wait_dma2 semaphore(%run_scoped3A : memref<!tpu.dma_semaphore, #tpu.memory_space<semaphore_mem>>) src(%arg3 : memref<16384xi32, #tpu.memory_space<hbm>>) dst(%arg6 : memref<16384xi32, #tpu.memory_space<vmem>>)
      tpu.yield
    }) : () -> ()
    "tpu.region"() ({
      %run_scoped3A = tpu.sem_alloc : memref<!tpu.dma_semaphore, #tpu.memory_space<semaphore_mem>>
      tpu.enqueue_dma source(%arg4 : memref<16384xi32, #tpu.memory_space<hbm>>) target(%arg7 : memref<16384xi32, #tpu.memory_space<vmem>>) target_semaphore(%run_scoped3A : memref<!tpu.dma_semaphore, #tpu.memory_space<semaphore_mem>>)
      tpu.wait_dma2 semaphore(%run_scoped3A : memref<!tpu.dma_semaphore, #tpu.memory_space<semaphore_mem>>) src(%arg4 : memref<16384xi32, #tpu.memory_space<hbm>>) dst(%arg7 : memref<16384xi32, #tpu.memory_space<vmem>>)
      tpu.yield
    }) : () -> ()
    %broadcast_in_dim3A = arith.constant 0.000000e+00 : f32
    %broadcast_in_dim3A_3 = vector.broadcast %broadcast_in_dim3A : f32 to vector<16xf32>
    %broadcast_in_dim3A_4 = arith.constant 1.000000e+00 : f32
    %broadcast_in_dim3A_5 = vector.broadcast %broadcast_in_dim3A_4 : f32 to vector<16xf32>
    %broadcast_in_dim3A_6 = arith.constant 0xFF800000 : f32
    %broadcast_in_dim3A_7 = vector.broadcast %broadcast_in_dim3A_6 : f32 to vector<16xf32>
    %swap3A = arith.constant 0 : index
    %swap3A_8 = tpu.vector_load %arg9[%swap3A] {strides = array<i32>} : memref<32xf32, #tpu.memory_space<vmem>>, vector<16xf32>,
    tpu.vector_store %arg9[%swap3A], %broadcast_in_dim3A_7 {strides = array<i32>} : memref<32xf32, #tpu.memory_space<vmem>>, vector<16xf32>,
    %swap3A_9 = arith.constant 16 : index
    %swap3A_10 = tpu.vector_load %arg9[%swap3A_9] {strides = array<i32>} : memref<32xf32, #tpu.memory_space<vmem>>, vector<16xf32>,
    tpu.vector_store %arg9[%swap3A_9], %broadcast_in_dim3A_7 {strides = array<i32>} : memref<32xf32, #tpu.memory_space<vmem>>, vector<16xf32>,
    %iota3A = tpu.iota {dimensions = array<i32: 0>} : vector<16xi32>
    %mul3A_11 = arith.constant 32 : i32
    %mul3A_12 = vector.broadcast %mul3A_11 : i32 to vector<16xi32>
    %mul3A_13 = arith.muli %iota3A, %mul3A_12 : vector<16xi32>
    %add3A_14 = vector.broadcast %mul3A_2 : i32 to vector<16xi32>
    %add3A_15 = arith.addi %add3A_14, %mul3A_13 : vector<16xi32>
    %broadcast_in_dim3A_16 = arith.constant -1 : i32
    %broadcast_in_dim3A_17 = vector.broadcast %broadcast_in_dim3A_16 : i32 to vector<16xi32>
    %scan3A = arith.constant 0 : i32
    %scan3A_18 = arith.constant 15 : i32
    %scan3A_19 = arith.addi %scan3A, %scan3A_18 : i32
    %scan3A_20 = arith.constant 1 : i32
    %scan3A_21 = scf.for %scan3A_118 = %scan3A to %scan3A_19 step %scan3A_20 iter_args(%scan3A_119 = %broadcast_in_dim3A_17) -> (vector<16xi32>)  : i32 {
      %shift_right_arithmetic3A = arith.constant 16384 : i32
      %shift_right_arithmetic3A_120 = arith.shrsi %shift_right_arithmetic3A, %scan3A_118 : i32
      %add3A_121 = vector.broadcast %shift_right_arithmetic3A_120 : i32 to vector<16xi32>
      %add3A_122 = arith.addi %scan3A_119, %add3A_121 : vector<16xi32>
      %min3A_123 = arith.constant 16383 : i32
      %min3A_124 = vector.broadcast %min3A_123 : i32 to vector<16xi32>
      %min3A_125 = arith.minsi %add3A_122, %min3A_124 : vector<16xi32>
      %gather3A = tpu.vector_load_idx %arg6[%min3A_125] : memref<16384xi32, #tpu.memory_space<vmem>>[vector<16xi32>], vector<16xi32>,
      %le3A = arith.constant 16383 : i32
      %le3A_126 = vector.broadcast %le3A : i32 to vector<16xi32>
      %le3A_127 = arith.cmpi sle, %add3A_122, %le3A_126 : vector<16xi32>
      %lt3A_128 = arith.cmpi slt, %gather3A, %add3A_15 : vector<16xi32>
      %and3A_129 = arith.andi %le3A_127, %lt3A_128 : vector<16xi1>
      %select_n3A_130 = arith.select %and3A_129, %add3A_122, %scan3A_119 : vector<16xi1>, vector<16xi32>
      scf.yield %select_n3A_130 : vector<16xi32>
    }
    %scan3A_22 = arith.constant 15 : i32
    %add3A_23 = arith.constant 1 : i32
    %add3A_24 = vector.broadcast %add3A_23 : i32 to vector<16xi32>
    %add3A_25 = arith.addi %scan3A_21, %add3A_24 : vector<16xi32>
    %eq3A = arith.constant 0 : i32
    %eq3A_26 = vector.broadcast %eq3A : i32 to vector<16xi32>
    %eq3A_27 = arith.cmpi eq, %iota3A, %eq3A_26 : vector<16xi32>
    %jit3A = arith.constant 0 : i32
    %broadcast_in_dim3A_28 = vector.broadcast %jit3A : i32 to vector<16xi32>
    %select_n3A = arith.select %eq3A_27, %add3A_25, %broadcast_in_dim3A_28 : vector<16xi1>, vector<16xi32>
    %reduce_max3A = arith.constant true
    %reduce_max3A_29 = vector.broadcast %reduce_max3A : i1 to vector<16xi1>
    %reduce_max3A_30 = arith.constant -2147483648 : i32
    %reduce_max3A_31 = vector.broadcast %reduce_max3A_30 : i32 to vector<16xi32>
    %reduce_max3A_32 = arith.xori %select_n3A, %reduce_max3A_31 : vector<16xi32>
    %reduce_max3A_33 = tpu.scan <max>, %reduce_max3A_32 masked %reduce_max3A_29 : vector<16xi32>, vector<16xi1> -> vector<16xi32>
    %reduce_max3A_34 = arith.xori %reduce_max3A_33, %reduce_max3A_31 : vector<16xi32>
    %reduce_max3A_35 = vector.extract %reduce_max3A_34[15] : i32 from vector<16xi32>
    %eq3A_36 = arith.constant 1 : i32
    %eq3A_37 = vector.broadcast %eq3A_36 : i32 to vector<16xi32>
    %eq3A_38 = arith.cmpi eq, %iota3A, %eq3A_37 : vector<16xi32>
    %jit3A_39 = arith.constant 0 : i32
    %broadcast_in_dim3A_40 = vector.broadcast %jit3A_39 : i32 to vector<16xi32>
    %select_n3A_41 = arith.select %eq3A_38, %add3A_25, %broadcast_in_dim3A_40 : vector<16xi1>, vector<16xi32>
    %reduce_max3A_42 = arith.constant true
    %reduce_max3A_43 = vector.broadcast %reduce_max3A_42 : i1 to vector<16xi1>
    %reduce_max3A_44 = arith.constant -2147483648 : i32
    %reduce_max3A_45 = vector.broadcast %reduce_max3A_44 : i32 to vector<16xi32>
    %reduce_max3A_46 = arith.xori %select_n3A_41, %reduce_max3A_45 : vector<16xi32>
    %reduce_max3A_47 = tpu.scan <max>, %reduce_max3A_46 masked %reduce_max3A_43 : vector<16xi32>, vector<16xi1> -> vector<16xi32>
    %reduce_max3A_48 = arith.xori %reduce_max3A_47, %reduce_max3A_45 : vector<16xi32>
    %reduce_max3A_49 = vector.extract %reduce_max3A_48[15] : i32 from vector<16xi32>
    %jit3A_50 = arith.constant 16 : i32
    %div3A = arith.divsi %reduce_max3A_35, %jit3A_50 : i32
    %sign3A = arith.constant 0 : i32
    %sign3A_51 = arith.cmpi sgt, %reduce_max3A_35, %sign3A : i32
    %sign3A_52 = arith.extui %sign3A_51 : i1 to i32
    %sign3A_53 = arith.constant 0 : i32
    %sign3A_54 = arith.cmpi slt, %reduce_max3A_35, %sign3A_53 : i32
    %sign3A_55 = arith.extui %sign3A_54 : i1 to i32
    %sign3A_56 = arith.subi %sign3A_52, %sign3A_55 : i32
    %sign3A_57 = arith.constant 0 : i32
    %sign3A_58 = arith.cmpi sgt, %jit3A_50, %sign3A_57 : i32
    %sign3A_59 = arith.extui %sign3A_58 : i1 to i32
    %sign3A_60 = arith.constant 0 : i32
    %sign3A_61 = arith.cmpi slt, %jit3A_50, %sign3A_60 : i32
    %sign3A_62 = arith.extui %sign3A_61 : i1 to i32
    %sign3A_63 = arith.subi %sign3A_59, %sign3A_62 : i32
    %ne3A = arith.cmpi ne, %sign3A_56, %sign3A_63 : i32
    %rem3A = arith.remsi %reduce_max3A_35, %jit3A_50 : i32
    %ne3A_64 = arith.constant 0 : i32
    %ne3A_65 = arith.cmpi ne, %rem3A, %ne3A_64 : i32
    %and3A = arith.andi %ne3A, %ne3A_65 : i1
    %sub3A = arith.constant 1 : i32
    %sub3A_66 = arith.subi %div3A, %sub3A : i32
    %select_n3A_67 = arith.select %and3A, %sub3A_66, %div3A : i32
    %add3A_68 = arith.constant 16 : i32
    %add3A_69 = arith.addi %reduce_max3A_49, %add3A_68 : i32
    %sub3A_70 = arith.constant 1 : i32
    %sub3A_71 = arith.subi %add3A_69, %sub3A_70 : i32
    %jit3A_72 = arith.constant 16 : i32
    %div3A_73 = arith.divsi %sub3A_71, %jit3A_72 : i32
    %sign3A_74 = arith.constant 0 : i32
    %sign3A_75 = arith.cmpi sgt, %sub3A_71, %sign3A_74 : i32
    %sign3A_76 = arith.extui %sign3A_75 : i1 to i32
    %sign3A_77 = arith.constant 0 : i32
    %sign3A_78 = arith.cmpi slt, %sub3A_71, %sign3A_77 : i32
    %sign3A_79 = arith.extui %sign3A_78 : i1 to i32
    %sign3A_80 = arith.subi %sign3A_76, %sign3A_79 : i32
    %sign3A_81 = arith.constant 0 : i32
    %sign3A_82 = arith.cmpi sgt, %jit3A_72, %sign3A_81 : i32
    %sign3A_83 = arith.extui %sign3A_82 : i1 to i32
    %sign3A_84 = arith.constant 0 : i32
    %sign3A_85 = arith.cmpi slt, %jit3A_72, %sign3A_84 : i32
    %sign3A_86 = arith.extui %sign3A_85 : i1 to i32
    %sign3A_87 = arith.subi %sign3A_83, %sign3A_86 : i32
    %ne3A_88 = arith.cmpi ne, %sign3A_80, %sign3A_87 : i32
    %rem3A_89 = arith.remsi %sub3A_71, %jit3A_72 : i32
    %ne3A_90 = arith.constant 0 : i32
    %ne3A_91 = arith.cmpi ne, %rem3A_89, %ne3A_90 : i32
    %and3A_92 = arith.andi %ne3A_88, %ne3A_91 : i1
    %sub3A_93 = arith.constant 1 : i32
    %sub3A_94 = arith.subi %div3A_73, %sub3A_93 : i32
    %select_n3A_95 = arith.select %and3A_92, %sub3A_94, %div3A_73 : i32
    %while3A = arith.constant 0 : i32
    %while3A_96 = arith.subi %select_n3A_95, %select_n3A_67 : i32
    %while3A_97 = arith.addi %select_n3A_67, %while3A_96 : i32
    %while3A_98 = arith.constant 1 : i32
    %while3A_99 = arith.divsi %while3A_96, %while3A_98 : i32
    %while3A_100 = arith.muli %while3A_99, %while3A_98 : i32
    %while3A_101 = arith.addi %select_n3A_67, %while3A_100 : i32
    %while3A_102 = arith.constant 1 : i32
    scf.for %while3A_118 = %select_n3A_67 to %while3A_101 step %while3A_102  : i32 {
      %mul3A_119 = arith.constant 16 : i32
      %mul3A_120 = arith.muli %while3A_118, %mul3A_119 : i32
      %get3A_121 = arith.index_cast %mul3A_120 : i32 to index
      %get3A_122 = tpu.vector_load %arg6[%get3A_121] {strides = array<i32>} : memref<16384xi32, #tpu.memory_space<vmem>>, vector<16xi32>,
      %mul3A_123 = arith.constant 16 : i32
      %mul3A_124 = arith.muli %while3A_118, %mul3A_123 : i32
      %get3A_125 = arith.index_cast %mul3A_124 : i32 to index
      %get3A_126 = tpu.vector_load %arg7[%get3A_125] {strides = array<i32>} : memref<16384xi32, #tpu.memory_space<vmem>>, vector<16xi32>,
      %sub3A_127 = vector.broadcast %mul3A_2 : i32 to vector<16xi32>
      %sub3A_128 = arith.subi %get3A_122, %sub3A_127 : vector<16xi32>
      %ge3A = arith.constant 0 : i32
      %ge3A_129 = vector.broadcast %ge3A : i32 to vector<16xi32>
      %ge3A_130 = arith.cmpi sge, %sub3A_128, %ge3A_129 : vector<16xi32>
      %lt3A_131 = arith.constant 32 : i32
      %lt3A_132 = vector.broadcast %lt3A_131 : i32 to vector<16xi32>
      %lt3A_133 = arith.cmpi slt, %sub3A_128, %lt3A_132 : vector<16xi32>
      %and3A_134 = arith.andi %ge3A_130, %lt3A_133 : vector<16xi1>
      %jit3A_135 = arith.constant 0 : i32
      %jit3A_136 = arith.constant 31 : i32
      %max3A = vector.broadcast %jit3A_135 : i32 to vector<16xi32>
      %max3A_137 = arith.maxsi %max3A, %sub3A_128 : vector<16xi32>
      %min3A_138 = vector.broadcast %jit3A_136 : i32 to vector<16xi32>
      %min3A_139 = arith.minsi %min3A_138, %max3A_137 : vector<16xi32>
      %mul3A_140 = arith.constant 1024 : i32
      %mul3A_141 = vector.broadcast %mul3A_140 : i32 to vector<16xi32>
      %mul3A_142 = arith.muli %min3A_139, %mul3A_141 : vector<16xi32>
      %add3A_143 = arith.addi %mul3A_142, %get3A_126 : vector<16xi32>
      tpu.vector_store_idx %arg8[%add3A_143], %broadcast_in_dim3A_5 masked %and3A_134 : memref<32768xf32, #tpu.memory_space<vmem>>[vector<16xi32>], vector<16xf32>, vector<16xi1>
      tpu.vector_store_idx %arg9[%min3A_139], %broadcast_in_dim3A_3 masked %and3A_134 : memref<32xf32, #tpu.memory_space<vmem>>[vector<16xi32>], vector<16xf32>, vector<16xi1>
    }
    %while3A_103 = arith.constant 1 : i32
    scf.for %while3A_118 = %while3A_101 to %while3A_97 step %while3A_103  : i32 {
      %mul3A_119 = arith.constant 16 : i32
      %mul3A_120 = arith.muli %while3A_118, %mul3A_119 : i32
      %get3A_121 = arith.index_cast %mul3A_120 : i32 to index
      %get3A_122 = tpu.vector_load %arg6[%get3A_121] {strides = array<i32>} : memref<16384xi32, #tpu.memory_space<vmem>>, vector<16xi32>,
      %mul3A_123 = arith.constant 16 : i32
      %mul3A_124 = arith.muli %while3A_118, %mul3A_123 : i32
      %get3A_125 = arith.index_cast %mul3A_124 : i32 to index
      %get3A_126 = tpu.vector_load %arg7[%get3A_125] {strides = array<i32>} : memref<16384xi32, #tpu.memory_space<vmem>>, vector<16xi32>,
      %sub3A_127 = vector.broadcast %mul3A_2 : i32 to vector<16xi32>
      %sub3A_128 = arith.subi %get3A_122, %sub3A_127 : vector<16xi32>
      %ge3A = arith.constant 0 : i32
      %ge3A_129 = vector.broadcast %ge3A : i32 to vector<16xi32>
      %ge3A_130 = arith.cmpi sge, %sub3A_128, %ge3A_129 : vector<16xi32>
      %lt3A_131 = arith.constant 32 : i32
      %lt3A_132 = vector.broadcast %lt3A_131 : i32 to vector<16xi32>
      %lt3A_133 = arith.cmpi slt, %sub3A_128, %lt3A_132 : vector<16xi32>
      %and3A_134 = arith.andi %ge3A_130, %lt3A_133 : vector<16xi1>
      %jit3A_135 = arith.constant 0 : i32
      %jit3A_136 = arith.constant 31 : i32
      %max3A = vector.broadcast %jit3A_135 : i32 to vector<16xi32>
      %max3A_137 = arith.maxsi %max3A, %sub3A_128 : vector<16xi32>
      %min3A_138 = vector.broadcast %jit3A_136 : i32 to vector<16xi32>
      %min3A_139 = arith.minsi %min3A_138, %max3A_137 : vector<16xi32>
      %mul3A_140 = arith.constant 1024 : i32
      %mul3A_141 = vector.broadcast %mul3A_140 : i32 to vector<16xi32>
      %mul3A_142 = arith.muli %min3A_139, %mul3A_141 : vector<16xi32>
      %add3A_143 = arith.addi %mul3A_142, %get3A_126 : vector<16xi32>
      tpu.vector_store_idx %arg8[%add3A_143], %broadcast_in_dim3A_5 masked %and3A_134 : memref<32768xf32, #tpu.memory_space<vmem>>[vector<16xi32>], vector<16xf32>, vector<16xi1>
      tpu.vector_store_idx %arg9[%min3A_139], %broadcast_in_dim3A_3 masked %and3A_134 : memref<32xf32, #tpu.memory_space<vmem>>[vector<16xi32>], vector<16xf32>, vector<16xi1>
    }
    %get3A = arith.constant 0 : index
    %get3A_104 = tpu.vector_load %arg9[%get3A] {strides = array<i32>} : memref<32xf32, #tpu.memory_space<vmem>>, vector<16xf32>,
    %reduce_min3A = arith.constant true
    %reduce_min3A_105 = vector.broadcast %reduce_min3A : i1 to vector<16xi1>
    %reduce_min3A_106 = tpu.scan <min>, %get3A_104 masked %reduce_min3A_105 : vector<16xf32>, vector<16xi1> -> vector<16xf32>
    %reduce_min3A_107 = vector.extract %reduce_min3A_106[15] : f32 from vector<16xf32>
    %get3A_108 = arith.constant 16 : index
    %get3A_109 = tpu.vector_load %arg9[%get3A_108] {strides = array<i32>} : memref<32xf32, #tpu.memory_space<vmem>>, vector<16xf32>,
    %reduce_min3A_110 = arith.constant true
    %reduce_min3A_111 = vector.broadcast %reduce_min3A_110 : i1 to vector<16xi1>
    %reduce_min3A_112 = tpu.scan <min>, %get3A_109 masked %reduce_min3A_111 : vector<16xf32>, vector<16xi1> -> vector<16xf32>
    %reduce_min3A_113 = vector.extract %reduce_min3A_112[15] : f32 from vector<16xf32>
    %min3A = arith.minimumf %reduce_min3A_107, %reduce_min3A_113 : f32
    %lt3A = arith.constant 0.000000e+00 : f32
    %lt3A_114 = arith.cmpf olt, %min3A, %lt3A : f32
    %convert_element_type3A = arith.extui %lt3A_114 : i1 to i32
    %cond3A = arith.constant 0 : i32
    %cond3A_115 = arith.cmpi ne, %convert_element_type3A, %cond3A : i32
    scf.if %cond3A_115 {
      %scan3A_118 = arith.constant 0 : i32
      %scan3A_119 = arith.constant 0 : i32
      %scan3A_120 = arith.constant 2048 : i32
      %scan3A_121 = arith.addi %scan3A_119, %scan3A_120 : i32
      %scan3A_122 = arith.constant 1 : i32
      scf.for %scan3A_124 = %scan3A_119 to %scan3A_121 step %scan3A_122  : i32 {
        %jit3A_125 = arith.constant 64 : i32
        %div3A_126 = arith.divsi %scan3A_124, %jit3A_125 : i32
        %sign3A_127 = arith.constant 0 : i32
        %sign3A_128 = arith.cmpi sgt, %scan3A_124, %sign3A_127 : i32
        %sign3A_129 = arith.extui %sign3A_128 : i1 to i32
        %sign3A_130 = arith.constant 0 : i32
        %sign3A_131 = arith.cmpi slt, %scan3A_124, %sign3A_130 : i32
        %sign3A_132 = arith.extui %sign3A_131 : i1 to i32
        %sign3A_133 = arith.subi %sign3A_129, %sign3A_132 : i32
        %sign3A_134 = arith.constant 0 : i32
        %sign3A_135 = arith.cmpi sgt, %jit3A_125, %sign3A_134 : i32
        %sign3A_136 = arith.extui %sign3A_135 : i1 to i32
        %sign3A_137 = arith.constant 0 : i32
        %sign3A_138 = arith.cmpi slt, %jit3A_125, %sign3A_137 : i32
        %sign3A_139 = arith.extui %sign3A_138 : i1 to i32
        %sign3A_140 = arith.subi %sign3A_136, %sign3A_139 : i32
        %ne3A_141 = arith.cmpi ne, %sign3A_133, %sign3A_140 : i32
        %rem3A_142 = arith.remsi %scan3A_124, %jit3A_125 : i32
        %ne3A_143 = arith.constant 0 : i32
        %ne3A_144 = arith.cmpi ne, %rem3A_142, %ne3A_143 : i32
        %and3A_145 = arith.andi %ne3A_141, %ne3A_144 : i1
        %sub3A_146 = arith.constant 1 : i32
        %sub3A_147 = arith.subi %div3A_126, %sub3A_146 : i32
        %select_n3A_148 = arith.select %and3A_145, %sub3A_147, %div3A_126 : i32
        %broadcast_in_dim3A_149 = vector.broadcast %select_n3A_148 : i32 to vector<16xi32>
        %gather3A = tpu.vector_load_idx %arg9[%broadcast_in_dim3A_149] : memref<32xf32, #tpu.memory_space<vmem>>[vector<16xi32>], vector<16xf32>,
        %mul3A_150 = arith.constant 16 : i32
        %mul3A_151 = arith.muli %scan3A_124, %mul3A_150 : i32
        %get3A_152 = arith.index_cast %mul3A_151 : i32 to index
        %get3A_153 = tpu.vector_load %arg8[%get3A_152] {strides = array<i32>} : memref<32768xf32, #tpu.memory_space<vmem>>, vector<16xf32>,
        %add3A_154 = arith.addf %get3A_153, %gather3A : vector<16xf32>
        %mul3A_155 = arith.constant 16 : i32
        %mul3A_156 = arith.muli %scan3A_124, %mul3A_155 : i32
        %swap3A_157 = arith.index_cast %mul3A_156 : i32 to index
        %swap3A_158 = tpu.vector_load %arg8[%swap3A_157] {strides = array<i32>} : memref<32768xf32, #tpu.memory_space<vmem>>, vector<16xf32>,
        tpu.vector_store %arg8[%swap3A_157], %add3A_154 {strides = array<i32>} : memref<32768xf32, #tpu.memory_space<vmem>>, vector<16xf32>,
      }
      %scan3A_123 = arith.constant 2048 : i32
    } else {
    }
    %mul3A_116 = arith.constant 32768 : i32
    %mul3A_117 = arith.muli %add3A, %mul3A_116 : i32
    "tpu.region"() ({
      %run_scoped3A = tpu.sem_alloc : memref<!tpu.dma_semaphore, #tpu.memory_space<semaphore_mem>>
      %dma_start3A = tpu.memref_slice %arg5[%mul3A_117] : memref<1048576xf32, #tpu.memory_space<hbm>> -> memref<32768xf32, #tpu.memory_space<hbm>>
      %dma_start3A_118 = tpu.memref_slice %arg5[%mul3A_117] : memref<1048576xf32, #tpu.memory_space<hbm>> -> memref<32768xf32, #tpu.memory_space<hbm>>
      tpu.enqueue_dma source(%arg8 : memref<32768xf32, #tpu.memory_space<vmem>>) target(%dma_start3A_118 : memref<32768xf32, #tpu.memory_space<hbm>>) target_semaphore(%run_scoped3A : memref<!tpu.dma_semaphore, #tpu.memory_space<semaphore_mem>>)
      %dma_wait3A = tpu.memref_slice %arg5[%mul3A_117] : memref<1048576xf32, #tpu.memory_space<hbm>> -> memref<32768xf32, #tpu.memory_space<hbm>>
      %dma_wait3A_119 = tpu.memref_slice %arg5[%mul3A_117] : memref<1048576xf32, #tpu.memory_space<hbm>> -> memref<32768xf32, #tpu.memory_space<hbm>>
      tpu.wait_dma2 semaphore(%run_scoped3A : memref<!tpu.dma_semaphore, #tpu.memory_space<semaphore_mem>>) src(%arg8 : memref<32768xf32, #tpu.memory_space<vmem>>) dst(%dma_wait3A_119 : memref<32768xf32, #tpu.memory_space<hbm>>)
      tpu.yield
    }) : () -> ()
    return
  }
}

module attributes {stable_mosaic.version = 14 : i64} {
  func.func @_assign_body(%arg0: i32, %arg1: memref<2048x32xf32, #tpu.memory_space<vmem>>, %arg2: memref<1024x32xf32, #tpu.memory_space<vmem>>, %arg3: memref<1x1x2048xi32, #tpu.memory_space<vmem>>) attributes {dimension_semantics = [#tpu.dimension_semantics<arbitrary>], iteration_bounds = array<i64: 8>, scalar_prefetch = 0 : i64, scratch_operands = 0 : i64, tpu.core_type = #tpu.core_type<tc>, window_params = [{transform_indices = @transform_0, window_bounds = array<i64: 2048, 32>}, {pipeline_mode = #tpu.pipeline_mode<synchronous>, transform_indices = @transform_1, window_bounds = array<i64: 1024, 32>}, {transform_indices = @transform_2, window_bounds = array<i64: 1, 1, 2048>}]} {
    %get3A = arith.constant 0 : index
    %get3A_0 = arith.constant 0 : index
    %get3A_1 = vector.load %arg1[%get3A, %get3A_0] : memref<2048x32xf32, #tpu.memory_space<vmem>>, vector<2048x32xf32>
    %get3A_2 = arith.constant 0 : index
    %get3A_3 = arith.constant 0 : index
    %get3A_4 = vector.load %arg2[%get3A_2, %get3A_3] : memref<1024x32xf32, #tpu.memory_space<vmem>>, vector<1024x32xf32>
    %mul3A = arith.mulf %get3A_1, %get3A_1 : vector<2048x32xf32>
    %reduce_sum3A = arith.constant dense<0.000000e+00> : vector<2048xf32>
    %reduce_sum3A_5 = vector.multi_reduction <add>, %mul3A, %reduce_sum3A [1] : vector<2048x32xf32> to vector<2048xf32>
    %broadcast_in_dim3A = vector.shape_cast %reduce_sum3A_5 : vector<2048xf32> to vector<2048x1xf32>
    %mul3A_6 = arith.mulf %get3A_4, %get3A_4 : vector<1024x32xf32>
    %reduce_sum3A_7 = arith.constant dense<0.000000e+00> : vector<1024xf32>
    %reduce_sum3A_8 = vector.multi_reduction <add>, %mul3A_6, %reduce_sum3A_7 [1] : vector<1024x32xf32> to vector<1024xf32>
    %broadcast_in_dim3A_9 = vector.shape_cast %reduce_sum3A_8 : vector<1024xf32> to vector<1x1024xf32>
    %dot_general3A = arith.constant dense<0.000000e+00> : vector<2048x1024xf32>
    %dot_general3A_10 = tpu.matmul %get3A_1, %get3A_4, %dot_general3A {dimension_numbers = #tpu.dot_dimension_numbers<[1], [1], [0], [0], [0, 0, 1, 0], [], []>, transpose_lhs_hint = false} : vector<2048x32xf32>, vector<1024x32xf32>, vector<2048x1024xf32> -> vector<2048x1024xf32>
    %add3A = vector.broadcast %broadcast_in_dim3A : vector<2048x1xf32> to vector<2048x1024xf32>
    %add3A_11 = vector.broadcast %broadcast_in_dim3A_9 : vector<1x1024xf32> to vector<2048x1024xf32>
    %add3A_12 = arith.addf %add3A, %add3A_11 : vector<2048x1024xf32>
    %mul3A_13 = arith.constant 2.000000e+00 : f32
    %mul3A_14 = vector.broadcast %mul3A_13 : f32 to vector<2048x1024xf32>
    %mul3A_15 = arith.mulf %mul3A_14, %dot_general3A_10 : vector<2048x1024xf32>
    %sub3A = arith.subf %add3A_12, %mul3A_15 : vector<2048x1024xf32>
    %max3A = arith.constant 9.99999996E-13 : f32
    %max3A_16 = vector.broadcast %max3A : f32 to vector<2048x1024xf32>
    %max3A_17 = arith.maximumf %sub3A, %max3A_16 : vector<2048x1024xf32>
    %sqrt3A = math.sqrt %max3A_17 : vector<2048x1024xf32>
    %reduce_min3A = arith.constant dense<0x7F800000> : vector<2048xf32>
    %reduce_min3A_18 = vector.multi_reduction <minimumf>, %sqrt3A, %reduce_min3A [1] : vector<2048x1024xf32> to vector<2048xf32>
    %broadcast_in_dim3A_19 = vector.shape_cast %reduce_min3A_18 : vector<2048xf32> to vector<2048x1xf32>
    %iota3A = tpu.iota {dimensions = array<i32: 1>} : vector<2048x1024xi32>
    %le3A = vector.broadcast %broadcast_in_dim3A_19 : vector<2048x1xf32> to vector<2048x1024xf32>
    %le3A_20 = arith.cmpf ole, %sqrt3A, %le3A : vector<2048x1024xf32>
    %jit3A = arith.constant 1024 : i32
    %broadcast_in_dim3A_21 = vector.broadcast %jit3A : i32 to vector<2048x1024xi32>
    %select_n3A = arith.select %le3A_20, %iota3A, %broadcast_in_dim3A_21 : vector<2048x1024xi1>, vector<2048x1024xi32>
    %reduce_min3A_22 = arith.constant dense<2147483647> : vector<2048xi32>
    %reduce_min3A_23 = vector.multi_reduction <minsi>, %select_n3A, %reduce_min3A_22 [1] : vector<2048x1024xi32> to vector<2048xi32>
    %swap3A = arith.constant 0 : index
    %swap3A_24 = arith.constant 0 : index
    %swap3A_25 = arith.constant 0 : index
    %swap3A_26 = vector.load %arg3[%swap3A, %swap3A_24, %swap3A_25] : memref<1x1x2048xi32, #tpu.memory_space<vmem>>, vector<1x1x2048xi32>
    %swap3A_27 = vector.shape_cast %swap3A_26 : vector<1x1x2048xi32> to vector<2048xi32>
    %swap3A_28 = vector.shape_cast %reduce_min3A_23 : vector<2048xi32> to vector<1x1x2048xi32>
    tpu.vector_store %arg3[%swap3A, %swap3A_24, %swap3A_25], %swap3A_28 {strides = array<i32>} : memref<1x1x2048xi32, #tpu.memory_space<vmem>>, vector<1x1x2048xi32>,
    return
  }
  func.func @transform_0(%arg0: i32) -> (i32, i32) {
    %c0_i32 = arith.constant 0 : i32
    %c0_i32_0 = arith.constant 0 : i32
    return %arg0, %c0_i32 : i32, i32
  }
  func.func @transform_1(%arg0: i32) -> (i32, i32) {
    %c0_i32 = arith.constant 0 : i32
    %c0_i32_0 = arith.constant 0 : i32
    %c0_i32_1 = arith.constant 0 : i32
    return %c0_i32, %c0_i32_0 : i32, i32
  }
  func.func @transform_2(%arg0: i32) -> (i32, i32, i32) {
    %c0_i32 = arith.constant 0 : i32
    %c0_i32_0 = arith.constant 0 : i32
    %c0_i32_1 = arith.constant 0 : i32
    return %arg0, %c0_i32, %c0_i32_0 : i32, i32, i32
  }
}

</mosaic_0001>

<sc_bundles>
// kernel: kernel.4.cloned.1.call-start
scs
__scs_entry_jumppad:
0x0: {  	(pc) =	sbr.rel $0x88, $3  }
0x1: {  	(tag) =	ssettag $0x0;
	lr =	simm.s32 $0x1  }
0x2: {  	[smem:$0x3F9E] =	sst lr;
	_ =	strace $0xD0000000  }
0x3: {  	_ = 	snop  }
0x4: {  	_ = 	snop  }
0x5: {  	_ = 	snop  }
0x6: {  	_ = 	snop  }
0x7: {  	_ = 	snop  }
__scs_overlays_trampoline_lowered:
0x8: {  	[smem:$0x3FAD] =	sst s0  }
0x9: {  	[smem:$0x3FAE] =	sst s1  }
0xa: {  	[smem:$0x3FAF] =	sst s2  }
0xb: {  	[smem:$0x3FB0] =	sst s3  }
0xc: {  	[smem:$0x3FB1] =	sst s4  }
0xd: {  	[smem:$0x3FB2] =	sst s5  }
0xe: {  	[smem:$0x3FB3] =	sst s6  }
0xf: {  	[smem:$0x3FB4] =	sst s7  }
0x10: {  	[smem:$0x3FB5] =	sst s8  }
0x11: {  	[smem:$0x3FB6] =	sst s9;
	s0 =	simm.s32 @!p0 $0x0  }
0x12: {  	s1 =	sld [smem:$0x3F9C];
	s0 =	simm.s32 @p0 $0x1  }
0x13: {  	[smem:$0x3FB7] =	sst s0;
	s0 =	simm.s32 @!p1 $0x0  }
0x14: {  	s2 =	sld [smem:$0x3F9B];
	s0 =	simm.s32 @p1 $0x1  }
0x15: {  	[smem:$0x3FB8] =	sst s0;
	s0 =	simm.s32 @!p2 $0x0  }
0x16: {  	s3 =	sld [smem:$0x3FDB];
	s0 =	simm.s32 @p2 $0x1  }
0x17: {  	s4 =	simm.s32 $0x1BF5;
	[smem:$0x3FBA] =	sst s0  }
0x18: {  	s0 =	sld [smem:$0x3F9D];
	_ =	swait.ge [sflag:s4], $0x0  }
0x19: {  	s7 =	sld [smem:$0x3F9E]  }
0x1a: {  	s8 =	sadd.s32 $0xFFFFE003, lr  }
0x1b: {  	s9 =	sadd.s32 $0xFFFFFEF7, lr;
	s5 =	simm.s32 $0xFFFFFFFF;
	p2 =	slt.u32 s8, $0xFFFFF086  }
0x1c: {  	p1 =	slt.u32 s9, $0xF7A;
	s5 =	simm.s32 @!p2 $0x0  }
0x1d: {  	s5 =	simm.s32 @p1 $0x1;
	p0 =	seq.s32 s7, s2  }
0x1e: {  	s7 =	smul.u32 @!p0 $0xF7A, s2;
	p2 =	seq.s32 @!p0 s5, $0x0  }
0x1f: {  	s9 =	smul.u32 $0xF7A, s1;
	s8 =	simm.s32 @!p0 $0x1BF5;
	p2 =	por !p2, p0  }
0x20: {  	[sflag:s8] =	ssyncset.s32 @!p0 $0xFFFFF086;
	s6 =	sadd.s32 @!p0 s3, s7;
	s7 =	simm.s32 @!p0 $0x108  }
0x21: {  	s3 =	sadd.s32 s3, s9;
	s6 =	sadd.s32 @!p0 $0x88, s6;
	s7 =	simm.s32 @p2 $0x1082  }
0x22: {  	[simem:s7], [sflag:s8] =	dma.local @!p0 [hbm:s6], $0xF7A  }
0x23: {  	s9 =	sor.u32 $0xD0000000, s2;
	s6 =	simm.s32 $0x108;
	_ =	swait.ge @!p0 [sflag:s8], $0x0  }
0x24: {  	s3 =	sadd.s32 $0x88, s3;
	s6 =	simm.s32 @!p1 $0x1082;
	[sflag:s4] =	ssyncset.s32 $0xFFFFF086  }
0x25: {  	[simem:s6], [sflag:s4] =	dma.local [hbm:s3], $0xF7A  }
0x26: {  	[smem:$0x3F9E] =	sst s1;
	(tag) =	ssettag s2;
	_ =	strace s9  }
0x27: {  	s1 =	sld [smem:$0x3FAE]  }
0x28: {  	s2 =	sld [smem:$0x3FAF]  }
0x29: {  	s4 =	sld [smem:$0x3FB1]  }
0x2a: {  	p0 =	seq.s32 s5, $0x0;
	s5 =	sld [smem:$0x3FB2]  }
0x2b: {  	s6 =	sld [smem:$0x3FB3]  }
0x2c: {  	s7 =	sld [smem:$0x3FB4]  }
0x2d: {  	s3 =	simm.s32 $0x108;
	s8 =	sld [smem:$0x3FB5]  }
0x2e: {  	s3 =	simm.s32 @!p0 $0x1082;
	s9 =	sld [smem:$0x3FB6]  }
0x2f: {  	lr =	sadd.s32 s0, s3;
	s0 =	sld [smem:$0x3FAD]  }
0x30: {  	s3 =	sld [smem:$0x3FB0]  }
0x31: {  	[smem:$0x3FB9] =	sst s10  }
0x32: {  	s10 =	sld [smem:$0x3FB7];
	_ =	sdelay $0x3  }
0x33: {  	p0 =	seq.s32 s10, $0x1;
	s10 =	sld [smem:$0x3FB9];
	_ =	sdelay $0x3  }
0x34: {  	[smem:$0x3FB9] =	sst s10  }
0x35: {  	s10 =	sld [smem:$0x3FB8];
	_ =	sdelay $0x3  }
0x36: {  	p1 =	seq.s32 s10, $0x1;
	s10 =	sld [smem:$0x3FB9];
	_ =	sdelay $0x3  }
0x37: {  	[smem:$0x3FB9] =	sst s10  }
0x38: {  	s10 =	sld [smem:$0x3FBA]  }
0x39: {  	_ = 	snop;
	(pc) =	sbr.ind lr, $3  }
0x3a: {  	_ = 	snop  }
0x3b: {  	_ = 	snop  }
0x3c: {  	p2 =	seq.s32 s10, $0x1;
	s10 =	sld [smem:$0x3FB9]  }
0x3d: {  	_ =	shalt  }
0x3e: {  	_ =	shalt  }
0x3f: {  	_ =	shalt  }
0x40: {  	_ =	shalt  }
0x41: {  	_ =	shalt  }
0x42: {  	_ =	shalt  }
0x43: {  	_ =	shalt  }
0x44: {  	_ =	shalt  }
0x45: {  	_ =	shalt  }
0x46: {  	_ =	shalt  }
0x47: {  	_ =	shalt  }
0x48: {  	_ =	shalt  }
0x49: {  	_ =	shalt  }
0x4a: {  	_ =	shalt  }
0x4b: {  	_ =	shalt  }
0x4c: {  	_ =	shalt  }
0x4d: {  	_ =	shalt  }
0x4e: {  	_ =	shalt  }
0x4f: {  	_ =	shalt  }
0x50: {  	_ =	shalt  }
0x51: {  	_ =	shalt  }
0x52: {  	_ =	shalt  }
0x53: {  	_ =	shalt  }
0x54: {  	_ =	shalt  }
0x55: {  	_ =	shalt  }
0x56: {  	_ =	shalt  }
0x57: {  	_ =	shalt  }
0x58: {  	_ =	shalt  }
0x59: {  	_ =	shalt  }
0x5a: {  	_ =	shalt  }
0x5b: {  	_ =	shalt  }
0x5c: {  	_ =	shalt  }
0x5d: {  	_ =	shalt  }
0x5e: {  	_ =	shalt  }
0x5f: {  	_ =	shalt  }
0x60: {  	_ =	shalt  }
0x61: {  	_ =	shalt  }
0x62: {  	_ =	shalt  }
0x63: {  	_ =	shalt  }
0x64: {  	_ =	shalt  }
0x65: {  	_ =	shalt  }
0x66: {  	_ =	shalt  }
0x67: {  	_ =	shalt  }
0x68: {  	_ =	shalt  }
0x69: {  	_ =	shalt  }
0x6a: {  	_ =	shalt  }
0x6b: {  	_ =	shalt  }
0x6c: {  	_ =	shalt  }
0x6d: {  	_ =	shalt  }
0x6e: {  	_ =	shalt  }
0x6f: {  	_ =	shalt  }
0x70: {  	_ =	shalt  }
0x71: {  	_ =	shalt  }
0x72: {  	_ =	shalt  }
0x73: {  	_ =	shalt  }
0x74: {  	_ =	shalt  }
0x75: {  	_ =	shalt  }
0x76: {  	_ =	shalt  }
0x77: {  	_ =	shalt  }
0x78: {  	_ =	shalt  }
0x79: {  	_ =	shalt  }
0x7a: {  	_ =	shalt  }
0x7b: {  	_ =	shalt  }
0x7c: {  	_ =	shalt  }
0x7d: {  	_ =	shalt  }
0x7e: {  	_ =	shalt  }
0x7f: {  	_ =	shalt  }
0x80: {  	_ =	shalt  }
0x81: {  	_ =	shalt  }
0x82: {  	_ =	shalt  }
0x83: {  	_ =	shalt  }
0x84: {  	_ =	shalt  }
0x85: {  	_ =	shalt  }
0x86: {  	_ =	shalt  }
0x87: {  	_ =	shalt  }
.Lfunc_end0:
.L_simem_size_0:
called_computation_lowered:
.L_overlay_start_0:
0x88: {  	s2 =	sld [smem:$0x3FD9]  }
0x89: {  	s3 =	sld [smem:$0x3FFE];
	_ =	sdelay $0x1  }
0x8a: {  	s1 =	srdreg.scid  }
0x8b: {  	s0 =	sand.u32 $0x1, s1  }
0x8c: {  	s17 =	sshll.u32 s0, $0xA;
	s2 =	sadd.s32 s3, s2  }
0x8d: {  	s2 =	sadd.s32 s2, s17  }
0x8e: {  	[smem:$0x3FC5] =	sst s2  }
0x8f: {  	_ = 	snop  }
0x90: {  	s2 =	sld [smem:$0x3FC8]  }
0x91: {  	s18 =	sld [smem:$0x3FD0];
	(tm) =	ssettm $0x1  }
0x92: {  	s4 =	sld [smem:$0x3FFB];
	_ =	sdelay $0x3  }
0x93: {  	_ =	strace s4  }
0x94: {  	s4 =	sld [smem:$0x3FFC];
	_ =	sdelay $0x3  }
0x95: {  	_ =	strace s4  }
0x96: {  	s4 =	sld [smem:$0x3FFD];
	_ =	sdelay $0x3  }
0x97: {  	_ =	strace s4  }
0x98: {  	_ =	strace $0x8FFFFFFF  }
0x99: {  	s19 =	sld [smem:$0x3FDB];
	_ =	sdelay $0x1  }
0x9a: {  	s5 =	simm.s32 $_scs_section_size  }
0x9b: {  	s6 =	simm.s32 $_size__tile_overlayer_lowered;
	s7 =	simm.s32 $_tile_overlayer_lowered  }
0x9c: {  	s22 =	simm.s32 $0x1BFF;
	s21 =	sshll.u32 s7, $0x1;
	s4 =	sadd.s32 s5, s19  }
0x9d: {  	s8 =	simm.s32 $0x0;
	s20 =	sshll.u32 s6, $0x1;
	s6 =	sadd.s32 s21, s4  }
0x9e: {  	[timem:s8], [sflag:s22] =	dma.local [hbm:s6], s20  }
0x9f: {  	_ =	swait.ge [sflag:s22], s20  }
0xa0: {  	s5 =	ssub.s32 $0x0, s20;
	[sflag:s22] =	ssyncset.done $0x0  }
0xa1: {  	[sflag:s22] =	ssyncadd.s32 s5;
	_ =	sdelay $0x1  }
0xa2: {  	s23 =	simm.s32 $0x1B8B  }
0xa3: {  	_ =	swait.ge [sflag:s23], $0x1  }
0xa4: {  	[sflag:s23] =	ssyncset.done $0x0  }
0xa5: {  	s25 =	simm.s32 $0x1B8E;
	s24 =	sld [smem:$0x3FFE];
	[sflag:s23] =	ssyncadd.s32 $0xFFFFFFFF  }
0xa6: {  	s26 =	simm.s32 $execute0_lowered;
	[smem:$0x3FD2] =	sst s25  }
0xa7: {  	s6 =	sshll.u32 s26, $0x1;
	_ =	strace $0x80000046;
	[dreg:$0x1] =	wrdreg $0xFFFFFFFF  }
0xa8: {  	s28 =	simm.s32 $_size_execute0_lowered;
	s4 =	sadd.s32 s4, s6;
	[dreg:$0x0] =	wrdreg $0x0  }
0xa9: {  	s6 =	sshll.u32 s28, $0x1;
	[dreg:$0x2] =	wrdreg s4  }
0xaa: {  	[dreg:$0x3] =	wrdreg s6  }
0xab: {  	[dreg:$0x4] =	wrdreg $0xC0  }
0xac: {  	_ =	task [dreg:s8], $0x5FFFF  }
0xad: {  	[dreg:$0x1] =	wrdreg $0xFFFFFFFF  }
0xae: {  	[dreg:$0x0] =	wrdreg $0x60  }
0xaf: {  	[dreg:$0x2] =	wrdreg s18  }
0xb0: {  	[dreg:$0x3] =	wrdreg s2  }
0xb1: {  	[dreg:$0x4] =	wrdreg s24  }
0xb2: {  	[dreg:$0x5] =	wrdreg $0x9  }
0xb3: {  	_ =	task.clear_ibuf [dreg:s8], $0x6FFFF;
	_ =	strace $0x90000046  }
0xb4: {  	s29 =	simm.s32 $0x9;
	_ =	strace $0x80000048  }
0xb5: {  	_ =	swait.ge [sflag:s29], $0x1  }
0xb6: {  	[sflag:s29] =	ssyncadd.s32 $0xFFFFFFFF  }
0xb7: {  	_ =	strace $0x90000048  }
0xb8: {  	_ =	sfence  }
0xb9: {  	s30 =	sld [smem:$0x0];
	_ =	sdelay $0x2  }
0xba: {  	s31 =	sshll.u32 s1, $0xD;
	s1 =	sshrl.u32 s1, $0x2  }
0xbb: {  	s3 =	sand.u32 $0x4000, s31;
	s1 =	sadd.s32 s1, s30  }
0xbc: {  	s0 =	sor.u32 s3, s0;
	s1 =	sshll.u32 s1, $0x11  }
0xbd: {  	s0 =	sor.u32 s1, s0  }
0xbe: {  	s0 =	sadd.s32 $0x8F2B, s0  }
0xbf: {  	[sflag:s0] =	ssyncadd.remote.s32 $0x1  }
0xc0: {  	_ =	sfence.sel $0xFFFF  }
0xc1: {  	[dreg:$0x0] =	wrdreg $0xFFFFFFFF;
	(pc) =	sbr.abs _section_cstart, $3  }
0xc2: {  	[dreg:$0x1] =	wrdreg $0xFFFFFFFF  }
0xc3: {  	_ =	task.clear_ibuf [dreg:s8], $0x2FFFF;
	_ =	strace $0x9FFFFFFF  }
0xc4: {  	(tm) =	ssettm $0x7FFFFFFF  }
0xc5: {  	_ =	shalt  }
tec
execute0_lowered:
.L_overlay_start_1:
0x0: {  	(tag) =	ssettag $0x1  }
0x1: {  	s1 =	rddreg [dreg:$0x0]  }
0x2: {  	s3 =	rddreg [dreg:$0x1]  }
0x3: {  	s5 =	rddreg [dreg:$0x2]  }
0x4: {  	s0 =	rddreg [dreg:$0x3]  }
0x5: {  	s6 =	srdreg.scid;
	s2 =	stileid.u32  }
0x6: {  	s4 =	simm.s32 $0x0;
	s10 =	simm.s32 $0x4000;
	s11 =	simm.s32 $0x10000  }
0x7: {  	s12 =	simm.s32 $0x0;
	s6 =	sand.u32 $0x1, s6;
	s7 =	sshll.u32 s2, $0x1  }
.Ltmp0:
0x8: {  	[smem:$0x7FF] =	sst s4;
	s7 =	sor.u32 s6, s7;
	(pc) =	sbr.rel .LBB2_1-.Ltmp0, $4  }
0x9: {  	v0 =	vlaneseq.u32;
	_ =	strace $0x80000047;
	s6 =	ssub.s32 $0x2, s6;
	s8 =	sshll.u32 s7, $0xC  }
0xa: {  	v2 =	vimm.f32 $-Inf;
	v1 =	vmul.u32 $0x20, v0;
	s9 =	sshrl.u32 s6, $0x1;
	s7 =	sshll.u32 s7, $0x5;
	s8 =	sadd.s32 s8, s5  }
0xb: {  	vm0 =	vmmov $0x1;
	vm1 =	vcmask $0x308;
	v3 =	vimm.f32 $1.000000000e+00;
	s5 =	sadd.s32 $0x800, s5;
	s9 =	ssub.s32 s6, s9;
	s6 =	sadd.s32 $0x1000, s8  }
0xc: {  	v4 =	vimm.f32 $0.0e+00;
	v0 =	vmov s7;
	v1 =	vadd.s32 s7, v1;
	s7 =	smax.u32 s9, $0x1;
	s8 =	simm.s32 $0x8000;
	s9 =	simm.s32 $0x1  }
.LBB2_9:
0xd: {  	v7 =	vmov s15  }
0xe: {  	v5 =	vadd.f32 v6, v5;
	_ =	sdelay $0x1  }
0xf: {  	s31 =	sadd.s32 $0x10, s13;
	[tilespmem:s13+$0x0] =	vst v5  }
0x10: {  	v6 =	vld [tilespmem:s31+$0x0]  }
0x11: {  	v5 =	vld.idx.msk [tilespmem:v7+s11+$0x0], $0xffff;
	_ =	sdelay $0x4  }
0x12: {  	v5 =	vadd.f32 v6, v5;
	_ =	sdelay $0x1  }
0x13: {  	[tilespmem:s31+$0x0] =	vst v5  }
.LBB2_10:
0x14: {  	s12 =	sadd.s32 $0x1, s12  }
0x15: {  	p0 =	sne.s32 s12, s7  }
.Ltmp1:
0x16: {  	_ = 	snop;
	(pc) =	sbr.rel @!p0 .LBB2_11-.Ltmp1, $4  }
0x17: {  	[hbm4b:s6+s4] =	stream.linear.scatter [tilespmem:s8], [sflag:$0x1], $0x8000, $0x38;
	[tilespmem:$0x10080] =	vst v63  }
0x18: {  	_ =	swait.ge [sflag:s9], $0x8000  }
0x19: {  	[sflag:s9] =	ssyncset.done $0x0  }
0x1a: {  	[sflag:s9] =	ssyncadd.s32 $0xFFFF8000  }
.LBB2_1:
0x1b: {  	[tilespmem:s8], [sflag:$0x1] =	stream.linear.gather [hbm4b:s1+s4], $0x8000, $0x38;
	[tilespmem:$0x10080] =	vst v63  }
0x1c: {  	_ =	swait.ge [sflag:s9], $0x8000  }
0x1d: {  	[sflag:s9] =	ssyncset.done $0x0  }
0x1e: {  	[sflag:s9] =	ssyncadd.s32 $0xFFFF8000  }
0x1f: {  	[tilespmem:s4], [sflag:$0x1] =	stream.linear.gather [hbm4b:s3+s4], $0x4000, $0x38;
	[tilespmem:$0x10080] =	vst v63  }
0x20: {  	_ =	swait.ge [sflag:s9], $0x4000  }
0x21: {  	[sflag:s9] =	ssyncset.done $0x0  }
0x22: {  	[sflag:s9] =	ssyncadd.s32 $0xFFFFC000  }
0x23: {  	[tilespmem:s10], [sflag:$0x1] =	stream.linear.gather [hbm4b:s5+s4], $0x4000, $0x38;
	[tilespmem:$0x10080] =	vst v63  }
0x24: {  	_ =	swait.ge [sflag:s9], $0x4000  }
0x25: {  	[sflag:s9] =	ssyncset.done $0x0  }
0x26: {  	[sflag:s9] =	ssyncadd.s32 $0xFFFFC000  }
0x27: {  	[tilespmem:$0x10000] =	vst v2  }
0x28: {  	v5 =	vimm.s32 $0xFFFFFFFF;
	s14 =	simm.s32 $0x4000;
	s13 =	simm.s32 $0x1;
	[tilespmem:$0x10010] =	vst v2  }
.LBB2_2:
0x29: {  	p0 =	sne.s32 s13, $0xE;
	v6 =	vadd.s32 s14, v5  }
0x2a: {  	vm2 =	vlt.s32 v6, $0x3FFF  }
0x2b: {  	v7 =	vnsel vm2, $0x3FFF, v6;
	_ =	sdelay $0x4  }
0x2c: {  	v7 =	vld.idx.msk [tilespmem:v7+s4+$0x0], $0xffff;
	_ =	sdelay $0x3  }
.Ltmp2:
0x2d: {  	(pc) =	sbr.rel @p0 .LBB2_2-.Ltmp2, $4  }
0x2e: {  	_ = 	snop  }
0x2f: {  	vm2 =	vlt.s32 v6, $0x4000;
	vm3 =	vlt.s32 v7, v1  }
0x30: {  	vm2 =	vmand vm2, vm3  }
0x31: {  	s14 =	sshrl.u32 s10, s13;
	s13 =	sadd.s32 $0x1, s13;
	v5 =	vsel vm2, v6, v5  }
0x32: {  	v6 =	vadd.s32 s14, v5  }
0x33: {  	vm2 =	vlt.s32 v6, $0x3FFF  }
0x34: {  	v7 =	vnsel vm2, $0x3FFF, v6;
	_ =	sdelay $0x4  }
0x35: {  	v7 =	vld.idx.msk [tilespmem:v7+s4+$0x0], $0xffff;
	_ =	sdelay $0x4  }
0x36: {  	vm2 =	vlt.s32 v6, $0x4000;
	vm3 =	vlt.s32 v7, v1  }
0x37: {  	vm2 =	vmand vm2, vm3  }
0x38: {  	v5 =	vsel vm2, v6, v5  }
0x39: {  	v5 =	vadd.s32 $0x1, v5  }
0x3a: {  	v6 =	vnsel vm0, $0x0, v5  }
0x3b: {  	v5 =	vsel vm1, $0x0, v5;
	v6 =	vxor.u32 $0x80000000, v6  }
0x3c: {  	v5 =	vxor.u32 $0x80000000, v5;
	(xrf0) =	vmax.scan.msk.u32 $0xffff, v6  }
0x3d: {  	(xrf0) =	vmax.scan.msk.u32 $0xffff, v5;
	_ =	sdelay $0x4  }
0x3e: {  	v5, _, _ =	vpop (xrf0)  }
0x3f: {  	(v2sf) =	vpush v5, $0xF;
	v5, _, _ =	vpop (xrf0)  }
0x40: {  	(v2sf) =	vpush v5, $0xF;
	_ =	sdelay $0xd  }
0x41: {  	s13 =	spop (v2sf)  }
0x42: {  	s17 =	simm.s32 $0x1;
	s26 =	sxor.u32 $0x80000000, s13;
	s16 =	spop (v2sf)  }
0x43: {  	p1 =	sgt.s32 s13, $0xFFFFFFFF;
	s13 =	sand.u32 $0xF, s13;
	s15 =	sshra.s32 s26, $0x1F  }
0x44: {  	p0 =	slt.s32 s26, $0x1;
	s28 =	sadd.s32 $0x8000000F, s16;
	p5 =	sne.s32 s13, $0x0  }
0x45: {  	s16 =	simm.s32 $0x1;
	s15 =	sshrl.u32 s15, $0x1C;
	p0 =	por p1, p0  }
0x46: {  	s29 =	sand.u32 $0xF, s28;
	p6 =	slt.s32 s28, $0x1;
	s31 =	sshra.s32 s28, $0x1F  }
0x47: {  	s15 =	sadd.s32 s15, s26;
	p0 =	por !p5, !p0;
	p2 =	sne.s32 s29, $0x0  }
0x48: {  	p1 =	por !p6, !p2;
	s30 =	sshra.s32 s15, $0x4;
	s15 =	sshrl.u32 s31, $0x1C  }
0x49: {  	p0 =	por !p0, !p0;
	s14 =	sadd.s32 s15, s28;
	p1 =	por !p1, !p1  }
0x4a: {  	s16 =	simm.s32 @!p0 $0x0;
	s14 =	sshra.s32 s14, $0x4;
	s17 =	simm.s32 @!p1 $0x0  }
0x4b: {  	s15 =	ssub.s32 s30, s16;
	s13 =	ssub.s32 s14, s17  }
0x4c: {  	p0 =	sge.s32 s15, s13  }
.Ltmp3:
0x4d: {  	_ = 	snop;
	(pc) =	sbr.rel @p0 .LBB2_6-.Ltmp3, $1  }
0x4e: {  	_ =	sdelay $0x3  }
0x4f: {  	s14 =	sshll.u32 s15, $0x6  }
0x50: {  	s16 =	sshra.s32 s14, $0x2  }
0x51: {  	v5 =	vld [tilespmem:s16+$0x0];
	_ =	sdelay $0x3  }
0x52: {  	s14 =	sadd.s32 $0x4000, s16  }
0x53: {  	v6 =	vld [tilespmem:s14+$0x0];
	v5 =	vsub.s32 v5, v0  }
0x54: {  	vm2 =	vgt.s32 v5, $0x0  }
0x55: {  	v7 =	vnsel vm2, $0x0, v5  }
0x56: {  	v7 =	vmin.u32 v7, $0x1F  }
0x57: {  	vm2 =	vlt.u32 v5, $0x20;
	v5 =	vshll.u32 v7, $0xA  }
0x58: {  	s15 =	sadd.s32 $0x1, s15;
	v5 =	vadd.s32 v6, v5  }
0x59: {  	p0 =	slt.s32 s15, s13  }
.Ltmp4:
0x5a: {  	_ = 	snop;
	(pc) =	sbr.rel @!p0 .LBB2_6-.Ltmp4, $3  }
0x5b: {  	_ =	sdelay $0x1  }
0x5c: {  	[tilespmem:v5+s8+$0x0] =	vst.idx.msk vm2, v3  }
0x5d: {  	s16 =	sadd.s32 $0x10, s16;
	[tilespmem:v7+s11+$0x0] =	vst.idx.msk vm2, v4  }
.LBB2_5:
0x5e: {  	v5 =	vld [tilespmem:s16+$0x0]  }
0x5f: {  	s15 =	sadd.s32 $0x1, s15  }
0x60: {  	p0 =	slt.s32 s15, s13;
	_ =	sdelay $0x1  }
0x61: {  	s14 =	sadd.s32 $0x10, s14  }
0x62: {  	v6 =	vld [tilespmem:s14+$0x0];
	v5 =	vsub.s32 v5, v0  }
0x63: {  	vm2 =	vgt.s32 v5, $0x0  }
0x64: {  	v7 =	vnsel vm2, $0x0, v5  }
0x65: {  	v7 =	vmin.u32 v7, $0x1F  }
0x66: {  	vm2 =	vlt.u32 v5, $0x20;
	v5 =	vshll.u32 v7, $0xA  }
0x67: {  	v5 =	vadd.s32 v6, v5;
	_ =	sdelay $0x1  }
.Ltmp5:
0x68: {  	(pc) =	sbr.rel @p0 .LBB2_5-.Ltmp5, $3  }
0x69: {  	_ =	sdelay $0x1  }
0x6a: {  	[tilespmem:v5+s8+$0x0] =	vst.idx.msk vm2, v3  }
0x6b: {  	s16 =	sadd.s32 $0x10, s16;
	[tilespmem:v7+s11+$0x0] =	vst.idx.msk vm2, v4  }
.LBB2_6:
0x6c: {  	v5 =	vld [tilespmem:$0x10000]  }
0x6d: {  	v6 =	vld [tilespmem:$0x10010];
	_ =	sdelay $0x3  }
0x6e: {  	(xrf0) =	vmin.scan.msk.f32 $0xffff, v5  }
0x6f: {  	(xrf0) =	vmin.scan.msk.f32 $0xffff, v6;
	_ =	sdelay $0x4  }
0x70: {  	v5, _, _ =	vpop (xrf0)  }
0x71: {  	(v2sf) =	vpush v5, $0xF;
	v5, _, _ =	vpop (xrf0)  }
0x72: {  	(v2sf) =	vpush v5, $0xF;
	_ =	sdelay $0xd  }
0x73: {  	s13 =	spop (v2sf)  }
0x74: {  	s14 =	spop (v2sf)  }
0x75: {  	s13 =	smin.f32 s13, s14  }
0x76: {  	p0 =	slt.f32 s13, $0.0e+00  }
.Ltmp6:
0x77: {  	_ = 	snop;
	(pc) =	sbr.rel @!p0 .LBB2_10-.Ltmp6, $1  }
0x78: {  	_ =	sdelay $0x3  }
0x79: {  	s13 =	simm.s32 $0x0  }
0x7a: {  	v5 =	vmov s13;
	_ =	sdelay $0x2  }
0x7b: {  	s13 =	simm.s32 $0x8000  }
0x7c: {  	v6 =	vld [tilespmem:s13+$0x0]  }
0x7d: {  	v5 =	vld.idx.msk [tilespmem:v5+s11+$0x0], $0xffff;
	_ =	sdelay $0x1  }
0x7e: {  	s15 =	simm.s32 $0x0;
	s14 =	simm.s32 $0x2  }
.LBB2_8:
0x7f: {  	p0 =	sne.s32 s14, $0x7FF;
	v7 =	vmov s15;
	_ =	sdelay $0x1  }
0x80: {  	v5 =	vadd.f32 v6, v5;
	_ =	sdelay $0x1  }
.Ltmp7:
0x81: {  	[tilespmem:s13+$0x0] =	vst v5;
	(pc) =	sbr.rel @p0 .LBB2_8-.Ltmp7, $3  }
0x82: {  	s13 =	sadd.s32 $0x10, s13;
	v5 =	vld.idx.msk [tilespmem:v7+s11+$0x0], $0xffff  }
0x83: {  	v6 =	vld [tilespmem:s13+$0x0];
	_ =	sdelay $0x1  }
0x84: {  	s15 =	sshrl.u32 s14, $0x6;
	s14 =	sadd.s32 $0x1, s14  }
.Ltmp8:
0x85: {  	_ = 	snop;
	(pc) =	sbr.rel .LBB2_9-.Ltmp8, $1  }
0x86: {  	_ =	sdelay $0x3  }
.LBB2_11:
0x87: {  	_ =	sfence.sel $0x180000  }
0x88: {  	[bflag:$0x0] =	sbarrier.arrive $0xFFFF  }
0x89: {  	p0 =	sne.s32 s2, $0x0;
	_ =	strace $0x90000047  }
0x8a: {  	s0 =	sadd.s32 @!p0 $0x100000, s0;
	[bflag:$0x2] =	sbarrier.arrive $0xFFFF  }
0x8b: {  	[sflag:s0] =	ssyncadd.tile.s32 @!p0 $0x1;
	_ =	shalt  }
.Lfunc_end2:
_tile_overlayer_lowered:
.L_overlay_start_2:
0x8c: {  	(tag) =	ssettag $0x2  }
0x8d: {  	s0 =	rddreg [dreg:$0x0];
	s2 =	stileid.u32  }
0x8e: {  	s1 =	rddreg [dreg:$0x1];
	p0 =	sne.s32 s2, $0x0  }
0x8f: {  	s3 =	rddreg [dreg:$0x2];
	[bflag:$0x3] =	sbarrier.arrive $0xFFFF;
	s2 =	simm.s32 @!p0 $0x1C01  }
0x90: {  	[timem:s3], [sflag:s2] =	dma.local @!p0 [hbm:s0], s1  }
0x91: {  	s0 =	simm.s32 @!p0 $0x1  }
0x92: {  	_ =	swait.ge @!p0 [sflag:s0], s1  }
0x93: {  	s1 =	ssub.s32 @!p0 $0x0, s1;
	[sflag:s0] =	ssyncset.done @!p0 $0x0  }
0x94: {  	[sflag:s0] =	ssyncadd.s32 @!p0 s1  }
0x95: {  	[bflag:$0x3] =	sbarrier.arrive $0xFFFF  }
0x96: {  	_ =	shalt  }

</sc_bundles>
